<compile_context>
chip_gen: v7x
topology: tpu7x:2x2x1
jax: 0.10.2.dev20260603
libtpu: 0.0.44.dev20260713+nightly
codegen_flags: <defaults>
</compile_context>

<pallas_src>
import functools

import jax
import jax.numpy as jnp
from jax import lax
from jax.experimental import pallas as pl
from jax.experimental.pallas import tpu as pltpu
from jax.experimental.pallas import tpu_sc as plsc

EMB = 32
L_OUT = 200
NW = 32
B_PER_W = 8
B_PAD = NW * B_PER_W
LANES = 128


def _make_gather():
    mesh = plsc.VectorSubcoreMesh(core_axis_name="c", subcore_axis_name="s")

    @functools.partial(
        pl.kernel,
        mesh=mesh,
        out_type=jax.ShapeDtypeStruct((B_PAD, EMB), jnp.float32),
        scratch_types=[
            pltpu.VMEM((16, LANES), jnp.int32),
            pltpu.VMEM((B_PER_W, EMB, LANES), jnp.float32),
            pltpu.VMEM((B_PER_W, EMB), jnp.float32),
            pltpu.SemaphoreType.DMA,
        ],
        compiler_params=pltpu.CompilerParams(needs_layout_passes=False),
    )
    def gather_kernel(tableT_hbm, xT_hbm, out_hbm, idx_v, blk_v, rows_v, sem):
        wid = lax.axis_index("s") * 2 + lax.axis_index("c")
        base = wid * B_PER_W
        rb = jnp.minimum(base, L_OUT - 16)
        d = jnp.minimum(base - rb, 8)
        pltpu.sync_copy(xT_hbm.at[pl.ds(rb, 16), pl.ds(0, LANES)], idx_v)
        zeros16 = jnp.zeros((16,), jnp.int32)
        iota = lax.iota(jnp.int32, 16)

        def fire(j, carry):
            vj = plsc.load_gather(
                idx_v, [jnp.full((16,), d + j, jnp.int32), zeros16]
            )
            ib = pl.multiple_of((vj[0] // LANES) * LANES, LANES)
            pltpu.async_copy(
                tableT_hbm.at[:, pl.ds(ib, LANES)], blk_v.at[j], sem
            )
            return carry

        lax.fori_loop(0, B_PER_W, fire, 0)

        def drain(j, carry):
            pltpu.make_async_copy(
                tableT_hbm.at[:, pl.ds(0, LANES)], blk_v.at[j], sem
            ).wait()
            return carry

        lax.fori_loop(0, B_PER_W, drain, 0)

        def extract(j, carry):
            vj = plsc.load_gather(
                idx_v, [jnp.full((16,), d + j, jnp.int32), zeros16]
            )
            lane = vj % LANES
            for h in range(EMB // 16):
                vals = plsc.load_gather(blk_v.at[j], [iota + 16 * h, lane])
                plsc.store_scatter(
                    rows_v,
                    [jnp.full((16,), j, jnp.int32), iota + 16 * h],
                    vals,
                )
            return carry

        lax.fori_loop(0, B_PER_W, extract, 0)
        pltpu.sync_copy(rows_v, out_hbm.at[pl.ds(base, B_PER_W)])

    return gather_kernel


def kernel(x, table):
    out = _make_gather()(table.T, x.T)
    return out[:L_OUT]

# --- scband reference (transcript-rebuilt; emitter-appended) ---
"""Pipeline reference for scband-topic-id-model-42855183679649 (READ-ONLY COPY).

The authoritative reference and input builder live on the scoring server;
editing this copy changes nothing except your own understanding.
"""

import jax, jax.numpy as jnp
import numpy as np

VOCAB = 1000000
EMB = 32
B = 4096
L = 200

def setup_inputs(seed: int = 0) -> dict:
    key = jax.random.key(seed)
    k1, k2 = jax.random.split(key)
    x = jax.random.randint(k1, (B, L), 0, VOCAB, dtype=jnp.int32)
    table = jax.random.normal(k2, (VOCAB, EMB), dtype=jnp.float32)
    # padding_idx=0 -> row 0 is zeros
    table = table.at[0].set(0.0)
    return {"x": x, "table": table}

def reference(x, table):
    # nn.Embedding lookup, then take first batch element: embedding(x)[0]
    emb = jnp.take(table, x, axis=0)  # [B, L, EMB]
    return emb[0]  # [L, EMB]

if __name__ == "__main__":
    import jax
    _d = setup_inputs()
    print(jax.jit(kernel)(*tuple(_d.values())))

</pallas_src>

<mosaic_0001>
#map = affine_map<(d0, d1) -> (0, 0)>
module attributes {stable_mosaic.version = 14 : i64} {
  func.func @gather_kernel(%arg0: i32, %arg1: i32, %arg2: memref<32x1000000xf32, #tpu.memory_space<hbm>>, %arg3: memref<200x4096xi32, #tpu.memory_space<hbm>>, %arg4: memref<256x32xf32, #tpu.memory_space<hbm>>, %arg5: memref<16x128xi32, #tpu.memory_space<vmem>>, %arg6: memref<8x32x128xf32, #tpu.memory_space<vmem>>, %arg7: memref<8x32xf32, #tpu.memory_space<vmem>>, %arg8: memref<!tpu.dma_semaphore, #tpu.memory_space<semaphore_mem>>) attributes {dimension_semantics = [#tpu.dimension_semantics<core_parallel>, #tpu.dimension_semantics<subcore_parallel>], iteration_bounds = array<i64: 2, 16>, scalar_prefetch = 0 : i64, scratch_operands = 4 : i64, tpu.core_type = #tpu.core_type<sc_vector_subcore>, window_params = [{transform_indices = #map}, {transform_indices = #map}, {transform_indices = #map}]} {
    %mul3A = arith.constant 2 : i32
    %mul3A_0 = arith.muli %arg1, %mul3A : i32
    %add3A = arith.addi %mul3A_0, %arg0 : i32
    %mul3A_1 = arith.constant 8 : i32
    %mul3A_2 = arith.muli %add3A, %mul3A_1 : i32
    %min3A = arith.constant 184 : i32
    %min3A_3 = arith.minsi %mul3A_2, %min3A : i32
    %sub3A = arith.subi %mul3A_2, %min3A_3 : i32
    %min3A_4 = arith.constant 8 : i32
    %min3A_5 = arith.minsi %sub3A, %min3A_4 : i32
    "tpu.region"() ({
      %run_scoped3A = tpu.sem_alloc : memref<!tpu.dma_semaphore, #tpu.memory_space<semaphore_mem>>
      %dma_start3A = arith.constant 0 : i32
      %dma_start3A_24 = tpu.memref_slice %arg3[%min3A_3, %dma_start3A] : memref<200x4096xi32, #tpu.memory_space<hbm>> -> memref<16x128xi32, #tpu.memory_space<hbm>>
      %dma_start3A_25 = arith.constant 0 : i32
      %dma_start3A_26 = tpu.memref_slice %arg3[%min3A_3, %dma_start3A_25] : memref<200x4096xi32, #tpu.memory_space<hbm>> -> memref<16x128xi32, #tpu.memory_space<hbm>>
      tpu.enqueue_dma source(%dma_start3A_26 : memref<16x128xi32, #tpu.memory_space<hbm>>) target(%arg5 : memref<16x128xi32, #tpu.memory_space<vmem>>) target_semaphore(%run_scoped3A : memref<!tpu.dma_semaphore, #tpu.memory_space<semaphore_mem>>)
      %dma_wait3A = arith.constant 0 : i32
      %dma_wait3A_27 = tpu.memref_slice %arg3[%min3A_3, %dma_wait3A] : memref<200x4096xi32, #tpu.memory_space<hbm>> -> memref<16x128xi32, #tpu.memory_space<hbm>>
      %dma_wait3A_28 = arith.constant 0 : i32
      %dma_wait3A_29 = tpu.memref_slice %arg3[%min3A_3, %dma_wait3A_28] : memref<200x4096xi32, #tpu.memory_space<hbm>> -> memref<16x128xi32, #tpu.memory_space<hbm>>
      tpu.wait_dma2 semaphore(%run_scoped3A : memref<!tpu.dma_semaphore, #tpu.memory_space<semaphore_mem>>) src(%dma_wait3A_29 : memref<16x128xi32, #tpu.memory_space<hbm>>) dst(%arg5 : memref<16x128xi32, #tpu.memory_space<vmem>>)
      tpu.yield
    }) : () -> ()
    %broadcast_in_dim3A = arith.constant 0 : i32
    %broadcast_in_dim3A_6 = vector.broadcast %broadcast_in_dim3A : i32 to vector<16xi32>
    %iota3A = tpu.iota {dimensions = array<i32: 0>} : vector<16xi32>
    %scan3A = arith.constant 0 : i32
    %scan3A_7 = arith.constant 0 : i32
    %scan3A_8 = arith.constant 8 : i32
    %scan3A_9 = arith.addi %scan3A_7, %scan3A_8 : i32
    %scan3A_10 = arith.constant 1 : i32
    scf.for %scan3A_24 = %scan3A_7 to %scan3A_9 step %scan3A_10  : i32 {
      %add3A_25 = arith.addi %min3A_5, %scan3A_24 : i32
      %broadcast_in_dim3A_26 = vector.broadcast %add3A_25 : i32 to vector<16xi32>
      %gather3A = tpu.vector_load_idx %arg5[%broadcast_in_dim3A_26, %broadcast_in_dim3A_6] : memref<16x128xi32, #tpu.memory_space<vmem>>[vector<16xi32>, vector<16xi32>], vector<16xi32>,
      %slice3A = vector.extract_strided_slice %gather3A {offsets = [0], sizes = [1], strides = [1]} : vector<16xi32> to vector<1xi32>
      %squeeze3A = vector.extract %slice3A[0] : i32 from vector<1xi32>
      %jit3A = arith.constant 128 : i32
      %div3A = arith.divsi %squeeze3A, %jit3A : i32
      %sign3A = arith.constant 0 : i32
      %sign3A_27 = arith.cmpi sgt, %squeeze3A, %sign3A : i32
      %sign3A_28 = arith.extui %sign3A_27 : i1 to i32
      %sign3A_29 = arith.constant 0 : i32
      %sign3A_30 = arith.cmpi slt, %squeeze3A, %sign3A_29 : i32
      %sign3A_31 = arith.extui %sign3A_30 : i1 to i32
      %sign3A_32 = arith.subi %sign3A_28, %sign3A_31 : i32
      %sign3A_33 = arith.constant 0 : i32
      %sign3A_34 = arith.cmpi sgt, %jit3A, %sign3A_33 : i32
      %sign3A_35 = arith.extui %sign3A_34 : i1 to i32
      %sign3A_36 = arith.constant 0 : i32
      %sign3A_37 = arith.cmpi slt, %jit3A, %sign3A_36 : i32
      %sign3A_38 = arith.extui %sign3A_37 : i1 to i32
      %sign3A_39 = arith.subi %sign3A_35, %sign3A_38 : i32
      %ne3A = arith.cmpi ne, %sign3A_32, %sign3A_39 : i32
      %rem3A = arith.remsi %squeeze3A, %jit3A : i32
      %ne3A_40 = arith.constant 0 : i32
      %ne3A_41 = arith.cmpi ne, %rem3A, %ne3A_40 : i32
      %and3A = arith.andi %ne3A, %ne3A_41 : i1
      %sub3A_42 = arith.constant 1 : i32
      %sub3A_43 = arith.subi %div3A, %sub3A_42 : i32
      %select_n3A = arith.select %and3A, %sub3A_43, %div3A : i32
      %mul3A_44 = arith.constant 128 : i32
      %mul3A_45 = arith.muli %select_n3A, %mul3A_44 : i32
      %multiple_of3A = tpu.assume_multiple %mul3A_45, 128 : i32
      %dma_start3A = arith.constant 0 : i32
      %dma_start3A_46 = arith.constant 0 : i32
      %dma_start3A_47 = tpu.memref_slice %arg6[%scan3A_24, %dma_start3A, %dma_start3A_46] : memref<8x32x128xf32, #tpu.memory_space<vmem>> -> memref<1x32x128xf32, #tpu.memory_space<vmem>>
      %dma_start3A_48 = tpu.memref_squeeze %dma_start3A_47 : memref<1x32x128xf32, #tpu.memory_space<vmem>> -> memref<32x128xf32, #tpu.memory_space<vmem>>
      %dma_start3A_49 = arith.constant 0 : i32
      %dma_start3A_50 = tpu.memref_slice %arg2[%dma_start3A_49, %multiple_of3A] : memref<32x1000000xf32, #tpu.memory_space<hbm>> -> memref<32x128xf32, #tpu.memory_space<hbm>>
      %dma_start3A_51 = arith.constant 0 : i32
      %dma_start3A_52 = arith.constant 0 : i32
      %dma_start3A_53 = tpu.memref_slice %arg6[%scan3A_24, %dma_start3A_51, %dma_start3A_52] : memref<8x32x128xf32, #tpu.memory_space<vmem>> -> memref<1x32x128xf32, #tpu.memory_space<vmem>>
      %dma_start3A_54 = tpu.memref_squeeze %dma_start3A_53 : memref<1x32x128xf32, #tpu.memory_space<vmem>> -> memref<32x128xf32, #tpu.memory_space<vmem>>
      %dma_start3A_55 = arith.constant 0 : i32
      %dma_start3A_56 = tpu.memref_slice %arg2[%dma_start3A_55, %multiple_of3A] : memref<32x1000000xf32, #tpu.memory_space<hbm>> -> memref<32x128xf32, #tpu.memory_space<hbm>>
      tpu.enqueue_dma source(%dma_start3A_56 : memref<32x128xf32, #tpu.memory_space<hbm>>) target(%dma_start3A_54 : memref<32x128xf32, #tpu.memory_space<vmem>>) target_semaphore(%arg8 : memref<!tpu.dma_semaphore, #tpu.memory_space<semaphore_mem>>)
    }
    %scan3A_11 = arith.constant 8 : i32
    %scan3A_12 = arith.constant 0 : i32
    %scan3A_13 = arith.constant 0 : i32
    %scan3A_14 = arith.constant 8 : i32
    %scan3A_15 = arith.addi %scan3A_13, %scan3A_14 : i32
    %scan3A_16 = arith.constant 1 : i32
    scf.for %scan3A_24 = %scan3A_13 to %scan3A_15 step %scan3A_16  : i32 {
      %dma_wait3A = arith.constant 0 : i32
      %dma_wait3A_25 = arith.constant 0 : i32
      %dma_wait3A_26 = tpu.memref_slice %arg6[%scan3A_24, %dma_wait3A, %dma_wait3A_25] : memref<8x32x128xf32, #tpu.memory_space<vmem>> -> memref<1x32x128xf32, #tpu.memory_space<vmem>>
      %dma_wait3A_27 = tpu.memref_squeeze %dma_wait3A_26 : memref<1x32x128xf32, #tpu.memory_space<vmem>> -> memref<32x128xf32, #tpu.memory_space<vmem>>
      %dma_wait3A_28 = arith.constant 0 : i32
      %dma_wait3A_29 = arith.constant 0 : i32
      %dma_wait3A_30 = tpu.memref_slice %arg2[%dma_wait3A_28, %dma_wait3A_29] : memref<32x1000000xf32, #tpu.memory_space<hbm>> -> memref<32x128xf32, #tpu.memory_space<hbm>>
      %dma_wait3A_31 = arith.constant 0 : i32
      %dma_wait3A_32 = arith.constant 0 : i32
      %dma_wait3A_33 = tpu.memref_slice %arg6[%scan3A_24, %dma_wait3A_31, %dma_wait3A_32] : memref<8x32x128xf32, #tpu.memory_space<vmem>> -> memref<1x32x128xf32, #tpu.memory_space<vmem>>
      %dma_wait3A_34 = tpu.memref_squeeze %dma_wait3A_33 : memref<1x32x128xf32, #tpu.memory_space<vmem>> -> memref<32x128xf32, #tpu.memory_space<vmem>>
      %dma_wait3A_35 = arith.constant 0 : i32
      %dma_wait3A_36 = arith.constant 0 : i32
      %dma_wait3A_37 = tpu.memref_slice %arg2[%dma_wait3A_35, %dma_wait3A_36] : memref<32x1000000xf32, #tpu.memory_space<hbm>> -> memref<32x128xf32, #tpu.memory_space<hbm>>
      tpu.wait_dma2 semaphore(%arg8 : memref<!tpu.dma_semaphore, #tpu.memory_space<semaphore_mem>>) src(%dma_wait3A_37 : memref<32x128xf32, #tpu.memory_space<hbm>>) dst(%dma_wait3A_34 : memref<32x128xf32, #tpu.memory_space<vmem>>)
    }
    %scan3A_17 = arith.constant 8 : i32
    %scan3A_18 = arith.constant 0 : i32
    %scan3A_19 = arith.constant 0 : i32
    %scan3A_20 = arith.constant 8 : i32
    %scan3A_21 = arith.addi %scan3A_19, %scan3A_20 : i32
    %scan3A_22 = arith.constant 1 : i32
    scf.for %scan3A_24 = %scan3A_19 to %scan3A_21 step %scan3A_22  : i32 {
      %add3A_25 = arith.addi %min3A_5, %scan3A_24 : i32
      %broadcast_in_dim3A_26 = vector.broadcast %add3A_25 : i32 to vector<16xi32>
      %gather3A = tpu.vector_load_idx %arg5[%broadcast_in_dim3A_26, %broadcast_in_dim3A_6] : memref<16x128xi32, #tpu.memory_space<vmem>>[vector<16xi32>, vector<16xi32>], vector<16xi32>,
      %jit3A = arith.constant 128 : i32
      %eq3A = arith.constant 0 : i32
      %eq3A_27 = arith.cmpi eq, %jit3A, %eq3A : i32
      %jit3A_28 = arith.constant 1 : i32
      %select_n3A = arith.select %eq3A_27, %jit3A_28, %jit3A : i32
      %rem3A = vector.broadcast %select_n3A : i32 to vector<16xi32>
      %rem3A_29 = arith.remsi %gather3A, %rem3A : vector<16xi32>
      %ne3A = arith.constant 0 : i32
      %ne3A_30 = vector.broadcast %ne3A : i32 to vector<16xi32>
      %ne3A_31 = arith.cmpi ne, %rem3A_29, %ne3A_30 : vector<16xi32>
      %lt3A = arith.constant 0 : i32
      %lt3A_32 = vector.broadcast %lt3A : i32 to vector<16xi32>
      %lt3A_33 = arith.cmpi slt, %rem3A_29, %lt3A_32 : vector<16xi32>
      %lt3A_34 = arith.constant 0 : i32
      %lt3A_35 = arith.cmpi slt, %select_n3A, %lt3A_34 : i32
      %ne3A_36 = vector.broadcast %lt3A_35 : i1 to vector<16xi1>
      %ne3A_37 = vector.broadcast %ne3A_36 : vector<16xi1> to vector<16xi1>
      %ne3A_38 = arith.xori %lt3A_33, %ne3A_37 : vector<16xi1>
      %and3A = arith.andi %ne3A_38, %ne3A_31 : vector<16xi1>
      %add3A_39 = vector.broadcast %select_n3A : i32 to vector<16xi32>
      %add3A_40 = arith.addi %rem3A_29, %add3A_39 : vector<16xi32>
      %select_n3A_41 = arith.select %and3A, %add3A_40, %rem3A_29 : vector<16xi1>, vector<16xi32>
      %add3A_42 = arith.constant 0 : i32
      %add3A_43 = vector.broadcast %add3A_42 : i32 to vector<16xi32>
      %add3A_44 = arith.addi %iota3A, %add3A_43 : vector<16xi32>
      %gather3A_45 = arith.constant 0 : i32
      %gather3A_46 = arith.constant 0 : i32
      %gather3A_47 = tpu.memref_slice %arg6[%scan3A_24, %gather3A_45, %gather3A_46] : memref<8x32x128xf32, #tpu.memory_space<vmem>> -> memref<1x32x128xf32, #tpu.memory_space<vmem>>
      %gather3A_48 = tpu.memref_squeeze %gather3A_47 : memref<1x32x128xf32, #tpu.memory_space<vmem>> -> memref<32x128xf32, #tpu.memory_space<vmem>>
      %gather3A_49 = tpu.vector_load_idx %gather3A_48[%add3A_44, %select_n3A_41] : memref<32x128xf32, #tpu.memory_space<vmem>>[vector<16xi32>, vector<16xi32>], vector<16xf32>,
      %broadcast_in_dim3A_50 = vector.broadcast %scan3A_24 : i32 to vector<16xi32>
      %add3A_51 = arith.constant 0 : i32
      %add3A_52 = vector.broadcast %add3A_51 : i32 to vector<16xi32>
      %add3A_53 = arith.addi %iota3A, %add3A_52 : vector<16xi32>
      tpu.vector_store_idx %arg7[%broadcast_in_dim3A_50, %add3A_53], %gather3A_49 : memref<8x32xf32, #tpu.memory_space<vmem>>[vector<16xi32>, vector<16xi32>], vector<16xf32>,
      %add3A_54 = arith.constant 16 : i32
      %add3A_55 = vector.broadcast %add3A_54 : i32 to vector<16xi32>
      %add3A_56 = arith.addi %iota3A, %add3A_55 : vector<16xi32>
      %gather3A_57 = arith.constant 0 : i32
      %gather3A_58 = arith.constant 0 : i32
      %gather3A_59 = tpu.memref_slice %arg6[%scan3A_24, %gather3A_57, %gather3A_58] : memref<8x32x128xf32, #tpu.memory_space<vmem>> -> memref<1x32x128xf32, #tpu.memory_space<vmem>>
      %gather3A_60 = tpu.memref_squeeze %gather3A_59 : memref<1x32x128xf32, #tpu.memory_space<vmem>> -> memref<32x128xf32, #tpu.memory_space<vmem>>
      %gather3A_61 = tpu.vector_load_idx %gather3A_60[%add3A_56, %select_n3A_41] : memref<32x128xf32, #tpu.memory_space<vmem>>[vector<16xi32>, vector<16xi32>], vector<16xf32>,
      %broadcast_in_dim3A_62 = vector.broadcast %scan3A_24 : i32 to vector<16xi32>
      %add3A_63 = arith.constant 16 : i32
      %add3A_64 = vector.broadcast %add3A_63 : i32 to vector<16xi32>
      %add3A_65 = arith.addi %iota3A, %add3A_64 : vector<16xi32>
      tpu.vector_store_idx %arg7[%broadcast_in_dim3A_62, %add3A_65], %gather3A_61 : memref<8x32xf32, #tpu.memory_space<vmem>>[vector<16xi32>, vector<16xi32>], vector<16xf32>,
    }
    %scan3A_23 = arith.constant 8 : i32
    "tpu.region"() ({
      %run_scoped3A = tpu.sem_alloc : memref<!tpu.dma_semaphore, #tpu.memory_space<semaphore_mem>>
      %dma_start3A = arith.constant 0 : i32
      %dma_start3A_24 = tpu.memref_slice %arg4[%mul3A_2, %dma_start3A] : memref<256x32xf32, #tpu.memory_space<hbm>> -> memref<8x32xf32, #tpu.memory_space<hbm>>
      %dma_start3A_25 = arith.constant 0 : i32
      %dma_start3A_26 = tpu.memref_slice %arg4[%mul3A_2, %dma_start3A_25] : memref<256x32xf32, #tpu.memory_space<hbm>> -> memref<8x32xf32, #tpu.memory_space<hbm>>
      tpu.enqueue_dma source(%arg7 : memref<8x32xf32, #tpu.memory_space<vmem>>) target(%dma_start3A_26 : memref<8x32xf32, #tpu.memory_space<hbm>>) target_semaphore(%run_scoped3A : memref<!tpu.dma_semaphore, #tpu.memory_space<semaphore_mem>>)
      %dma_wait3A = arith.constant 0 : i32
      %dma_wait3A_27 = tpu.memref_slice %arg4[%mul3A_2, %dma_wait3A] : memref<256x32xf32, #tpu.memory_space<hbm>> -> memref<8x32xf32, #tpu.memory_space<hbm>>
      %dma_wait3A_28 = arith.constant 0 : i32
      %dma_wait3A_29 = tpu.memref_slice %arg4[%mul3A_2, %dma_wait3A_28] : memref<256x32xf32, #tpu.memory_space<hbm>> -> memref<8x32xf32, #tpu.memory_space<hbm>>
      tpu.wait_dma2 semaphore(%run_scoped3A : memref<!tpu.dma_semaphore, #tpu.memory_space<semaphore_mem>>) src(%arg7 : memref<8x32xf32, #tpu.memory_space<vmem>>) dst(%dma_wait3A_29 : memref<8x32xf32, #tpu.memory_space<hbm>>)
      tpu.yield
    }) : () -> ()
    return
  }
}

</mosaic_0001>

<sc_bundles>
// kernel: kernel.3.cloned.1.call-start
scs
__scs_entry_jumppad:
0x0: {  	(pc) =	sbr.rel $0x88, $3  }
0x1: {  	(tag) =	ssettag $0x0;
	lr =	simm.s32 $0x1  }
0x2: {  	[smem:$0x3F9F] =	sst lr;
	_ =	strace $0xD0000000  }
0x3: {  	_ = 	snop  }
0x4: {  	_ = 	snop  }
0x5: {  	_ = 	snop  }
0x6: {  	_ = 	snop  }
0x7: {  	_ = 	snop  }
__scs_overlays_trampoline_lowered:
0x8: {  	[smem:$0x3FAE] =	sst s0  }
0x9: {  	[smem:$0x3FAF] =	sst s1  }
0xa: {  	[smem:$0x3FB0] =	sst s2  }
0xb: {  	[smem:$0x3FB1] =	sst s3  }
0xc: {  	[smem:$0x3FB2] =	sst s4  }
0xd: {  	[smem:$0x3FB3] =	sst s5  }
0xe: {  	[smem:$0x3FB4] =	sst s6  }
0xf: {  	[smem:$0x3FB5] =	sst s7  }
0x10: {  	[smem:$0x3FB6] =	sst s8  }
0x11: {  	[smem:$0x3FB7] =	sst s9;
	s0 =	simm.s32 @!p0 $0x0  }
0x12: {  	s1 =	sld [smem:$0x3F9D];
	s0 =	simm.s32 @p0 $0x1  }
0x13: {  	[smem:$0x3FB8] =	sst s0;
	s0 =	simm.s32 @!p1 $0x0  }
0x14: {  	s2 =	sld [smem:$0x3F9C];
	s0 =	simm.s32 @p1 $0x1  }
0x15: {  	[smem:$0x3FB9] =	sst s0;
	s0 =	simm.s32 @!p2 $0x0  }
0x16: {  	s3 =	sld [smem:$0x3FDB];
	s0 =	simm.s32 @p2 $0x1  }
0x17: {  	s4 =	simm.s32 $0x1BF5;
	[smem:$0x3FBB] =	sst s0  }
0x18: {  	s0 =	sld [smem:$0x3F9E];
	_ =	swait.ge [sflag:s4], $0x0  }
0x19: {  	s7 =	sld [smem:$0x3F9F]  }
0x1a: {  	s8 =	sadd.s32 $0xFFFFE003, lr  }
0x1b: {  	s9 =	sadd.s32 $0xFFFFFEF7, lr;
	s5 =	simm.s32 $0xFFFFFFFF;
	p2 =	slt.u32 s8, $0xFFFFF086  }
0x1c: {  	p1 =	slt.u32 s9, $0xF7A;
	s5 =	simm.s32 @!p2 $0x0  }
0x1d: {  	s5 =	simm.s32 @p1 $0x1;
	p0 =	seq.s32 s7, s2  }
0x1e: {  	s7 =	smul.u32 @!p0 $0xF7A, s2;
	p2 =	seq.s32 @!p0 s5, $0x0  }
0x1f: {  	s9 =	smul.u32 $0xF7A, s1;
	s8 =	simm.s32 @!p0 $0x1BF5;
	p2 =	por !p2, p0  }
0x20: {  	[sflag:s8] =	ssyncset.s32 @!p0 $0xFFFFF086;
	s6 =	sadd.s32 @!p0 s3, s7;
	s7 =	simm.s32 @!p0 $0x108  }
0x21: {  	s3 =	sadd.s32 s3, s9;
	s6 =	sadd.s32 @!p0 $0x88, s6;
	s7 =	simm.s32 @p2 $0x1082  }
0x22: {  	[simem:s7], [sflag:s8] =	dma.local @!p0 [hbm:s6], $0xF7A  }
0x23: {  	s9 =	sor.u32 $0xD0000000, s2;
	s6 =	simm.s32 $0x108;
	_ =	swait.ge @!p0 [sflag:s8], $0x0  }
0x24: {  	s3 =	sadd.s32 $0x88, s3;
	s6 =	simm.s32 @!p1 $0x1082;
	[sflag:s4] =	ssyncset.s32 $0xFFFFF086  }
0x25: {  	[simem:s6], [sflag:s4] =	dma.local [hbm:s3], $0xF7A  }
0x26: {  	[smem:$0x3F9F] =	sst s1;
	(tag) =	ssettag s2;
	_ =	strace s9  }
0x27: {  	s1 =	sld [smem:$0x3FAF]  }
0x28: {  	s2 =	sld [smem:$0x3FB0]  }
0x29: {  	s4 =	sld [smem:$0x3FB2]  }
0x2a: {  	p0 =	seq.s32 s5, $0x0;
	s5 =	sld [smem:$0x3FB3]  }
0x2b: {  	s6 =	sld [smem:$0x3FB4]  }
0x2c: {  	s7 =	sld [smem:$0x3FB5]  }
0x2d: {  	s3 =	simm.s32 $0x108;
	s8 =	sld [smem:$0x3FB6]  }
0x2e: {  	s3 =	simm.s32 @!p0 $0x1082;
	s9 =	sld [smem:$0x3FB7]  }
0x2f: {  	lr =	sadd.s32 s0, s3;
	s0 =	sld [smem:$0x3FAE]  }
0x30: {  	s3 =	sld [smem:$0x3FB1]  }
0x31: {  	[smem:$0x3FBA] =	sst s10  }
0x32: {  	s10 =	sld [smem:$0x3FB8];
	_ =	sdelay $0x3  }
0x33: {  	p0 =	seq.s32 s10, $0x1;
	s10 =	sld [smem:$0x3FBA];
	_ =	sdelay $0x3  }
0x34: {  	[smem:$0x3FBA] =	sst s10  }
0x35: {  	s10 =	sld [smem:$0x3FB9];
	_ =	sdelay $0x3  }
0x36: {  	p1 =	seq.s32 s10, $0x1;
	s10 =	sld [smem:$0x3FBA];
	_ =	sdelay $0x3  }
0x37: {  	[smem:$0x3FBA] =	sst s10  }
0x38: {  	s10 =	sld [smem:$0x3FBB]  }
0x39: {  	_ = 	snop;
	(pc) =	sbr.ind lr, $3  }
0x3a: {  	_ = 	snop  }
0x3b: {  	_ = 	snop  }
0x3c: {  	p2 =	seq.s32 s10, $0x1;
	s10 =	sld [smem:$0x3FBA]  }
0x3d: {  	_ =	shalt  }
0x3e: {  	_ =	shalt  }
0x3f: {  	_ =	shalt  }
0x40: {  	_ =	shalt  }
0x41: {  	_ =	shalt  }
0x42: {  	_ =	shalt  }
0x43: {  	_ =	shalt  }
0x44: {  	_ =	shalt  }
0x45: {  	_ =	shalt  }
0x46: {  	_ =	shalt  }
0x47: {  	_ =	shalt  }
0x48: {  	_ =	shalt  }
0x49: {  	_ =	shalt  }
0x4a: {  	_ =	shalt  }
0x4b: {  	_ =	shalt  }
0x4c: {  	_ =	shalt  }
0x4d: {  	_ =	shalt  }
0x4e: {  	_ =	shalt  }
0x4f: {  	_ =	shalt  }
0x50: {  	_ =	shalt  }
0x51: {  	_ =	shalt  }
0x52: {  	_ =	shalt  }
0x53: {  	_ =	shalt  }
0x54: {  	_ =	shalt  }
0x55: {  	_ =	shalt  }
0x56: {  	_ =	shalt  }
0x57: {  	_ =	shalt  }
0x58: {  	_ =	shalt  }
0x59: {  	_ =	shalt  }
0x5a: {  	_ =	shalt  }
0x5b: {  	_ =	shalt  }
0x5c: {  	_ =	shalt  }
0x5d: {  	_ =	shalt  }
0x5e: {  	_ =	shalt  }
0x5f: {  	_ =	shalt  }
0x60: {  	_ =	shalt  }
0x61: {  	_ =	shalt  }
0x62: {  	_ =	shalt  }
0x63: {  	_ =	shalt  }
0x64: {  	_ =	shalt  }
0x65: {  	_ =	shalt  }
0x66: {  	_ =	shalt  }
0x67: {  	_ =	shalt  }
0x68: {  	_ =	shalt  }
0x69: {  	_ =	shalt  }
0x6a: {  	_ =	shalt  }
0x6b: {  	_ =	shalt  }
0x6c: {  	_ =	shalt  }
0x6d: {  	_ =	shalt  }
0x6e: {  	_ =	shalt  }
0x6f: {  	_ =	shalt  }
0x70: {  	_ =	shalt  }
0x71: {  	_ =	shalt  }
0x72: {  	_ =	shalt  }
0x73: {  	_ =	shalt  }
0x74: {  	_ =	shalt  }
0x75: {  	_ =	shalt  }
0x76: {  	_ =	shalt  }
0x77: {  	_ =	shalt  }
0x78: {  	_ =	shalt  }
0x79: {  	_ =	shalt  }
0x7a: {  	_ =	shalt  }
0x7b: {  	_ =	shalt  }
0x7c: {  	_ =	shalt  }
0x7d: {  	_ =	shalt  }
0x7e: {  	_ =	shalt  }
0x7f: {  	_ =	shalt  }
0x80: {  	_ =	shalt  }
0x81: {  	_ =	shalt  }
0x82: {  	_ =	shalt  }
0x83: {  	_ =	shalt  }
0x84: {  	_ =	shalt  }
0x85: {  	_ =	shalt  }
0x86: {  	_ =	shalt  }
0x87: {  	_ =	shalt  }
.Lfunc_end0:
.L_simem_size_0:
called_computation_lowered:
.L_overlay_start_0:
0x88: {  	s2 =	sld [smem:$0x3FD9]  }
0x89: {  	s3 =	sld [smem:$0x3FFE];
	_ =	sdelay $0x1  }
0x8a: {  	s1 =	srdreg.scid  }
0x8b: {  	s0 =	sand.u32 $0x1, s1  }
0x8c: {  	s17 =	sshll.u32 s0, $0xA;
	s2 =	sadd.s32 s3, s2  }
0x8d: {  	s2 =	sadd.s32 s2, s17  }
0x8e: {  	[smem:$0x3FC6] =	sst s2  }
0x8f: {  	_ = 	snop  }
0x90: {  	s2 =	sld [smem:$0x3FC9]  }
0x91: {  	s18 =	sld [smem:$0x3FC8];
	(tm) =	ssettm $0x1  }
0x92: {  	s4 =	sld [smem:$0x3FFB];
	_ =	sdelay $0x3  }
0x93: {  	_ =	strace s4  }
0x94: {  	s4 =	sld [smem:$0x3FFC];
	_ =	sdelay $0x3  }
0x95: {  	_ =	strace s4  }
0x96: {  	s4 =	sld [smem:$0x3FFD];
	_ =	sdelay $0x3  }
0x97: {  	_ =	strace s4  }
0x98: {  	_ =	strace $0x8FFFFFFF  }
0x99: {  	s19 =	sld [smem:$0x3FDB];
	_ =	sdelay $0x1  }
0x9a: {  	s5 =	simm.s32 $_scs_section_size  }
0x9b: {  	s6 =	simm.s32 $_size__tile_overlayer_lowered;
	s7 =	simm.s32 $_tile_overlayer_lowered  }
0x9c: {  	s22 =	simm.s32 $0x1BFF;
	s21 =	sshll.u32 s7, $0x1;
	s4 =	sadd.s32 s5, s19  }
0x9d: {  	s8 =	simm.s32 $0x0;
	s20 =	sshll.u32 s6, $0x1;
	s6 =	sadd.s32 s21, s4  }
0x9e: {  	[timem:s8], [sflag:s22] =	dma.local [hbm:s6], s20  }
0x9f: {  	_ =	swait.ge [sflag:s22], s20  }
0xa0: {  	s5 =	ssub.s32 $0x0, s20;
	[sflag:s22] =	ssyncset.done $0x0  }
0xa1: {  	[sflag:s22] =	ssyncadd.s32 s5;
	_ =	sdelay $0x1  }
0xa2: {  	s23 =	simm.s32 $0x1B8B  }
0xa3: {  	_ =	swait.ge [sflag:s23], $0x1  }
0xa4: {  	[sflag:s23] =	ssyncset.done $0x0  }
0xa5: {  	s25 =	simm.s32 $0x1B8E;
	s24 =	sld [smem:$0x3FFE];
	[sflag:s23] =	ssyncadd.s32 $0xFFFFFFFF  }
0xa6: {  	s26 =	simm.s32 $execute0_lowered;
	[smem:$0x3FD2] =	sst s25  }
0xa7: {  	s6 =	sshll.u32 s26, $0x1;
	_ =	strace $0x80000046;
	[dreg:$0x1] =	wrdreg $0xFFFFFFFF  }
0xa8: {  	s28 =	simm.s32 $_size_execute0_lowered;
	s4 =	sadd.s32 s4, s6;
	[dreg:$0x0] =	wrdreg $0x0  }
0xa9: {  	s6 =	sshll.u32 s28, $0x1;
	[dreg:$0x2] =	wrdreg s4  }
0xaa: {  	[dreg:$0x3] =	wrdreg s6  }
0xab: {  	[dreg:$0x4] =	wrdreg $0xC0  }
0xac: {  	_ =	task [dreg:s8], $0x5FFFF  }
0xad: {  	[dreg:$0x1] =	wrdreg $0xFFFFFFFF  }
0xae: {  	[dreg:$0x0] =	wrdreg $0x60  }
0xaf: {  	[dreg:$0x2] =	wrdreg s18  }
0xb0: {  	[dreg:$0x3] =	wrdreg s2  }
0xb1: {  	[dreg:$0x4] =	wrdreg s24  }
0xb2: {  	[dreg:$0x5] =	wrdreg $0x9  }
0xb3: {  	_ =	task.clear_ibuf [dreg:s8], $0x6FFFF;
	_ =	strace $0x90000046  }
0xb4: {  	s29 =	simm.s32 $0x9;
	_ =	strace $0x80000048  }
0xb5: {  	_ =	swait.ge [sflag:s29], $0x1  }
0xb6: {  	[sflag:s29] =	ssyncadd.s32 $0xFFFFFFFF  }
0xb7: {  	_ =	strace $0x90000048  }
0xb8: {  	_ =	sfence  }
0xb9: {  	s30 =	sld [smem:$0x0];
	_ =	sdelay $0x2  }
0xba: {  	s31 =	sshll.u32 s1, $0xD;
	s1 =	sshrl.u32 s1, $0x2  }
0xbb: {  	s3 =	sand.u32 $0x4000, s31;
	s1 =	sadd.s32 s1, s30  }
0xbc: {  	s0 =	sor.u32 s3, s0;
	s1 =	sshll.u32 s1, $0x11  }
0xbd: {  	s0 =	sor.u32 s1, s0  }
0xbe: {  	s0 =	sadd.s32 $0x8F2B, s0  }
0xbf: {  	[sflag:s0] =	ssyncadd.remote.s32 $0x1  }
0xc0: {  	_ =	sfence.sel $0xFFFF  }
0xc1: {  	[dreg:$0x0] =	wrdreg $0xFFFFFFFF;
	(pc) =	sbr.abs _section_cstart, $3  }
0xc2: {  	[dreg:$0x1] =	wrdreg $0xFFFFFFFF  }
0xc3: {  	_ =	task.clear_ibuf [dreg:s8], $0x2FFFF;
	_ =	strace $0x9FFFFFFF  }
0xc4: {  	(tm) =	ssettm $0x7FFFFFFF  }
0xc5: {  	_ =	shalt  }
tec
execute0_lowered:
.L_overlay_start_1:
0x0: {  	(tag) =	ssettag $0x1  }
0x1: {  	s1 =	rddreg [dreg:$0x0]  }
0x2: {  	s4 =	rddreg [dreg:$0x1]  }
0x3: {  	s5 =	rddreg [dreg:$0x2];
	s3 =	srdreg.scid  }
0x4: {  	s0 =	rddreg [dreg:$0x3];
	s2 =	stileid.u32  }
0x5: {  	s10 =	simm.s32 $0x2;
	s11 =	simm.s32 $0x1;
	s12 =	simm.s32 $0x7A1400  }
0x6: {  	s13 =	simm.s32 $0x8800;
	s14 =	simm.s32 $0x0;
	s6 =	sand.u32 $0x1, s3  }
0x7: {  	s3 =	simm.s32 $0x0;
	s7 =	sshll.u32 s2, $0x4;
	s8 =	sshll.u32 s6, $0x3  }
0x8: {  	[smem:$0x7FF] =	sst s3;
	s6 =	ssub.s32 $0x2, s6;
	s7 =	sor.u32 s8, s7  }
0x9: {  	_ =	strace $0x80000047;
	s30 =	sshrl.u32 s6, $0x1;
	s8 =	sshll.u32 s7, $0x4  }
0xa: {  	v0 =	vlaneseq.u32;
	s9 =	smin.u32 s7, $0xB8;
	s6 =	ssub.s32 s6, s30;
	s7 =	smax.u32 s7, $0xB8  }
0xb: {  	v1 =	vmul.u32 $0x80, v0;
	s5 =	sadd.s32 s8, s5;
	s31 =	sshll.u32 s9, $0x9;
	s7 =	sadd.s32 $0xFFFFFF48, s7  }
0xc: {  	s6 =	smax.u32 s6, $0x1;
	s8 =	simm.s32 $0x400;
	s9 =	simm.s32 $0x8000  }
0xd: {  	v3 =	vor.u32 $0x10, v0;
	v2 =	vor.u32 $0x800, v1;
	s4 =	sadd.s32 s4, s31;
	s5 =	sadd.s32 $0x400, s5;
	s7 =	smin.u32 s7, $0x8  }
.LBB2_1:
0xe: {  	s15 =	sadd.s32 $0x0, s7  }
0xf: {  	s15 =	sshll.u32 s15, $0x7  }
0x10: {  	v4 =	vmov s15  }
0x11: {  	[tilespmem:s3], [sflag:$0x2] =	stream.strided.gather [hbm4b:s4+s8], $0x800, s9, s8, $0x38;
	[tilespmem:$0x8C00] =	vst v63  }
0x12: {  	_ =	swait.ge [sflag:s10], $0x800  }
0x13: {  	[sflag:s10] =	ssyncset.done $0x0  }
0x14: {  	[sflag:s10] =	ssyncadd.s32 $0xFFFFF800  }
0x15: {  	v4 =	vld.idx.msk [tilespmem:v4+s3+$0x0], $0xffff;
	_ =	sdelay $0x4  }
0x16: {  	(v2sf) =	vpush v4, $0x0;
	_ =	sdelay $0xe  }
0x17: {  	s26 =	spop (v2sf)  }
0x18: {  	s16 =	sand.u32 $0x7F, s26  }
0x19: {  	s17 =	sshra.s32 s26, $0x1F;
	p0 =	slt.s32 s26, $0x1;
	p1 =	sne.s32 s16, $0x0  }
0x1a: {  	s28 =	sadd.s32 $0x1, s7;
	s17 =	sshrl.u32 s17, $0x19;
	p0 =	por !p0, !p1  }
0x1b: {  	s15 =	sadd.s32 s17, s26;
	s17 =	simm.s32 $0x1;
	p0 =	por !p0, !p0  }
0x1c: {  	s16 =	sshll.u32 s28, $0x7;
	s15 =	sshrl.u32 s15, $0x7;
	s17 =	simm.s32 @!p0 $0x0  }
0x1d: {  	v4 =	vmov s16;
	s15 =	ssub.s32 s15, s17  }
0x1e: {  	s15 =	sshll.u32 s15, $0x7  }
0x1f: {  	s29 =	sand.u32 $0x1FFFFF80, s15  }
0x20: {  	s15 =	simm.s32 $0x800;
	s16 =	sadd.s32 s1, s29  }
0x21: {  	[tilespmem:s15], [sflag:$0x1] =	stream.strided.gather [hbm4b:s16+s8], $0x1000, s12, s8, $0x38;
	[tilespmem:$0x8C00] =	vst v63  }
0x22: {  	v4 =	vld.idx.msk [tilespmem:v4+s3+$0x0], $0xffff;
	_ =	sdelay $0x4  }
0x23: {  	(v2sf) =	vpush v4, $0x0;
	_ =	sdelay $0xe  }
0x24: {  	s18 =	spop (v2sf)  }
0x25: {  	s30 =	sadd.s32 $0x2, s7;
	s31 =	sand.u32 $0x7F, s18  }
0x26: {  	s19 =	sshra.s32 s18, $0x1F;
	p5 =	slt.s32 s18, $0x1;
	p6 =	sne.s32 s31, $0x0  }
0x27: {  	s17 =	sshll.u32 s30, $0x7;
	s19 =	sshrl.u32 s19, $0x19;
	p0 =	por !p5, !p6  }
0x28: {  	s16 =	simm.s32 $0x3;
	s18 =	sadd.s32 s19, s18;
	p1 =	por !p0, !p0  }
.LBB2_2:
0x29: {  	s19 =	simm.s32 $0x1  }
0x2a: {  	p0 =	sne.s32 s16, $0x7;
	s18 =	sshrl.u32 s18, $0x7;
	s19 =	simm.s32 @!p1 $0x0  }
0x2b: {  	v4 =	vmov s17;
	s17 =	ssub.s32 s18, s19  }
0x2c: {  	s17 =	sshll.u32 s17, $0x7  }
0x2d: {  	s17 =	sand.u32 $0x1FFFFF80, s17  }
0x2e: {  	s15 =	sadd.s32 $0x1000, s15;
	s17 =	sadd.s32 s1, s17  }
0x2f: {  	[tilespmem:s15], [sflag:$0x1] =	stream.strided.gather [hbm4b:s17+s8], $0x1000, s12, s8, $0x38;
	[tilespmem:$0x8C00] =	vst v63  }
0x30: {  	v4 =	vld.idx.msk [tilespmem:v4+s3+$0x0], $0xffff;
	_ =	sdelay $0x5  }
0x31: {  	(v2sf) =	vpush v4, $0x0;
	_ =	sdelay $0xe  }
.Ltmp0:
0x32: {  	s18 =	spop (v2sf);
	(pc) =	sbr.rel @p0 .LBB2_2-.Ltmp0, $4  }
0x33: {  	s17 =	sadd.s32 s16, s7;
	s19 =	sand.u32 $0x7F, s18  }
0x34: {  	s20 =	sshra.s32 s18, $0x1F;
	p1 =	slt.s32 s18, $0x1;
	p2 =	sne.s32 s19, $0x0  }
0x35: {  	s17 =	sshll.u32 s17, $0x7;
	s19 =	sshrl.u32 s20, $0x19;
	p1 =	por !p1, !p2  }
0x36: {  	s16 =	sadd.s32 $0x1, s16;
	s18 =	sadd.s32 s19, s18;
	p1 =	por !p1, !p1  }
0x37: {  	s16 =	simm.s32 $0x1  }
0x38: {  	s18 =	sshrl.u32 s18, $0x7;
	s16 =	simm.s32 @!p1 $0x0  }
0x39: {  	v4 =	vmov s17;
	s16 =	ssub.s32 s18, s16  }
0x3a: {  	s16 =	sshll.u32 s16, $0x7  }
0x3b: {  	s16 =	sand.u32 $0x1FFFFF80, s16  }
0x3c: {  	s15 =	sadd.s32 $0x1000, s15;
	s16 =	sadd.s32 s1, s16  }
0x3d: {  	[tilespmem:s15], [sflag:$0x1] =	stream.strided.gather [hbm4b:s16+s8], $0x1000, s12, s8, $0x38;
	[tilespmem:$0x8C00] =	vst v63  }
0x3e: {  	v4 =	vld.idx.msk [tilespmem:v4+s3+$0x0], $0xffff;
	_ =	sdelay $0x4  }
0x3f: {  	(v2sf) =	vpush v4, $0x0;
	_ =	sdelay $0xe  }
0x40: {  	s26 =	spop (v2sf)  }
0x41: {  	s28 =	sand.u32 $0x7F, s26  }
0x42: {  	s29 =	sshra.s32 s26, $0x1F;
	p0 =	slt.s32 s26, $0x1;
	p6 =	sne.s32 s28, $0x0  }
0x43: {  	s30 =	sshrl.u32 s29, $0x19;
	p0 =	por !p0, !p6  }
0x44: {  	s17 =	simm.s32 $0x1;
	s16 =	sadd.s32 s30, s26;
	p0 =	por !p0, !p0  }
0x45: {  	s16 =	sshrl.u32 s16, $0x7;
	s17 =	simm.s32 @!p0 $0x0  }
0x46: {  	s16 =	ssub.s32 s16, s17  }
0x47: {  	s16 =	sshll.u32 s16, $0x7  }
0x48: {  	s16 =	sand.u32 $0x1FFFFF80, s16  }
0x49: {  	s15 =	sadd.s32 $0x1000, s15;
	s16 =	sadd.s32 s1, s16  }
0x4a: {  	[tilespmem:s15], [sflag:$0x1] =	stream.strided.gather [hbm4b:s16+s8], $0x1000, s12, s8, $0x38;
	[tilespmem:$0x8C00] =	vst v63  }
0x4b: {  	_ =	swait.ge [sflag:s11], $0x1000  }
0x4c: {  	[sflag:s11] =	ssyncset.done $0x0  }
0x4d: {  	[sflag:s11] =	ssyncadd.s32 $0xFFFFF000  }
0x4e: {  	_ =	swait.ge [sflag:s11], $0x1000  }
0x4f: {  	[sflag:s11] =	ssyncset.done $0x0  }
0x50: {  	[sflag:s11] =	ssyncadd.s32 $0xFFFFF000  }
0x51: {  	_ =	swait.ge [sflag:s11], $0x1000  }
0x52: {  	[sflag:s11] =	ssyncset.done $0x0  }
0x53: {  	[sflag:s11] =	ssyncadd.s32 $0xFFFFF000  }
0x54: {  	_ =	swait.ge [sflag:s11], $0x1000  }
0x55: {  	[sflag:s11] =	ssyncset.done $0x0  }
0x56: {  	[sflag:s11] =	ssyncadd.s32 $0xFFFFF000  }
0x57: {  	_ =	swait.ge [sflag:s11], $0x1000  }
0x58: {  	[sflag:s11] =	ssyncset.done $0x0  }
0x59: {  	[sflag:s11] =	ssyncadd.s32 $0xFFFFF000  }
0x5a: {  	_ =	swait.ge [sflag:s11], $0x1000  }
0x5b: {  	[sflag:s11] =	ssyncset.done $0x0  }
0x5c: {  	s31 =	sadd.s32 $0x0, s7;
	[sflag:s11] =	ssyncadd.s32 $0xFFFFF000  }
0x5d: {  	s15 =	sshll.u32 s31, $0x7;
	_ =	swait.ge [sflag:s11], $0x1000  }
0x5e: {  	v4 =	vmov s15;
	[sflag:s11] =	ssyncset.done $0x0  }
0x5f: {  	[sflag:s11] =	ssyncadd.s32 $0xFFFFF000  }
0x60: {  	_ =	swait.ge [sflag:s11], $0x1000  }
0x61: {  	[sflag:s11] =	ssyncset.done $0x0  }
0x62: {  	[sflag:s11] =	ssyncadd.s32 $0xFFFFF000  }
0x63: {  	v4 =	vld.idx.msk [tilespmem:v4+s3+$0x0], $0xffff;
	_ =	sdelay $0x4  }
0x64: {  	v4 =	vand.u32 $0x7F, v4  }
0x65: {  	v5 =	vor.u32 v1, v4;
	_ =	sdelay $0x3  }
0x66: {  	s18 =	simm.s32 $0x0;
	s15 =	simm.s32 $0x800  }
0x67: {  	v6 =	vor.u32 s18, v0;
	v5 =	vld.idx.msk [tilespmem:v5+s15+$0x0], $0xffff  }
0x68: {  	v4 =	vor.u32 v2, v4;
	_ =	sdelay $0x3  }
0x69: {  	[tilespmem:v6+s13+$0x0] =	vst.idx.msk $0xffff, v5  }
0x6a: {  	s19 =	sadd.s32 $0x1, s7;
	s17 =	simm.s32 $0x2;
	s16 =	simm.s32 $0x1;
	v4 =	vld.idx.msk [tilespmem:v4+s15+$0x0], $0xffff  }
.LBB2_4:
0x6b: {  	p0 =	sne.s32 s17, $0x7;
	s19 =	sshll.u32 s19, $0x7;
	v5 =	vor.u32 s18, v3  }
0x6c: {  	v6 =	vmov s19;
	_ =	sdelay $0x3  }
0x6d: {  	[tilespmem:v5+s13+$0x0] =	vst.idx.msk $0xffff, v4  }
0x6e: {  	v4 =	vld.idx.msk [tilespmem:v6+s3+$0x0], $0xffff;
	_ =	sdelay $0x5  }
0x6f: {  	v4 =	vand.u32 $0x7F, v4  }
0x70: {  	v5 =	vor.u32 v1, v4;
	_ =	sdelay $0x3  }
0x71: {  	s15 =	sadd.s32 $0x1000, s15  }
0x72: {  	s18 =	sshll.u32 s16, $0x7;
	s16 =	smov.u32 s17;
	v5 =	vld.idx.msk [tilespmem:v5+s15+$0x0], $0xffff  }
0x73: {  	v6 =	vor.u32 s18, v0  }
0x74: {  	v4 =	vor.u32 v2, v4  }
.Ltmp1:
0x75: {  	(pc) =	sbr.rel @p0 .LBB2_4-.Ltmp1, $3  }
0x76: {  	_ =	sdelay $0x1  }
0x77: {  	[tilespmem:v6+s13+$0x0] =	vst.idx.msk $0xffff, v5  }
0x78: {  	s17 =	sadd.s32 $0x1, s17;
	s19 =	sadd.s32 s16, s7;
	v4 =	vld.idx.msk [tilespmem:v4+s15+$0x0], $0xffff  }
0x79: {  	s17 =	sshll.u32 s19, $0x7;
	v5 =	vor.u32 s18, v3  }
0x7a: {  	v6 =	vmov s17;
	_ =	sdelay $0x3  }
0x7b: {  	[tilespmem:v5+s13+$0x0] =	vst.idx.msk $0xffff, v4  }
0x7c: {  	v4 =	vld.idx.msk [tilespmem:v6+s3+$0x0], $0xffff;
	_ =	sdelay $0x4  }
0x7d: {  	v4 =	vand.u32 $0x7F, v4  }
0x7e: {  	v5 =	vor.u32 v1, v4;
	_ =	sdelay $0x3  }
0x7f: {  	s15 =	sadd.s32 $0x1000, s15;
	s16 =	sshll.u32 s16, $0x7  }
0x80: {  	v63 =	vor.u32 s16, v0;
	v5 =	vld.idx.msk [tilespmem:v5+s15+$0x0], $0xffff  }
0x81: {  	v4 =	vor.u32 v2, v4;
	_ =	sdelay $0x3  }
0x82: {  	[tilespmem:v63+s13+$0x0] =	vst.idx.msk $0xffff, v5  }
0x83: {  	v5 =	vor.u32 s16, v3;
	v4 =	vld.idx.msk [tilespmem:v4+s15+$0x0], $0xffff;
	_ =	sdelay $0x2  }
0x84: {  	s14 =	sadd.s32 $0x1, s14  }
0x85: {  	p0 =	sne.s32 s14, s6  }
.Ltmp2:
0x86: {  	[tilespmem:v5+s13+$0x0] =	vst.idx.msk $0xffff, v4;
	(pc) =	sbr.rel @p0 .LBB2_1-.Ltmp2, $4  }
0x87: {  	[hbm4b:s5+s3] =	stream.linear.scatter [tilespmem:s13], [sflag:$0x2], $0x400, $0x38;
	[tilespmem:$0x8C00] =	vst v63  }
0x88: {  	_ =	swait.ge [sflag:s10], $0x400  }
0x89: {  	[sflag:s10] =	ssyncset.done $0x0  }
0x8a: {  	[sflag:s10] =	ssyncadd.s32 $0xFFFFFC00  }
0x8b: {  	_ =	sfence.sel $0x180000  }
0x8c: {  	[bflag:$0x0] =	sbarrier.arrive $0xFFFF  }
0x8d: {  	p0 =	sne.s32 s2, $0x0;
	_ =	strace $0x90000047  }
0x8e: {  	s0 =	sadd.s32 @!p0 $0x100000, s0;
	[bflag:$0x2] =	sbarrier.arrive $0xFFFF  }
0x8f: {  	[sflag:s0] =	ssyncadd.tile.s32 @!p0 $0x1;
	_ =	shalt  }
.Lfunc_end2:
_tile_overlayer_lowered:
.L_overlay_start_2:
0x90: {  	(tag) =	ssettag $0x2  }
0x91: {  	s0 =	rddreg [dreg:$0x0];
	s2 =	stileid.u32  }
0x92: {  	s1 =	rddreg [dreg:$0x1];
	p0 =	sne.s32 s2, $0x0  }
0x93: {  	s3 =	rddreg [dreg:$0x2];
	[bflag:$0x3] =	sbarrier.arrive $0xFFFF;
	s2 =	simm.s32 @!p0 $0x1C02  }
0x94: {  	[timem:s3], [sflag:s2] =	dma.local @!p0 [hbm:s0], s1  }
0x95: {  	s0 =	simm.s32 @!p0 $0x2  }
0x96: {  	_ =	swait.ge @!p0 [sflag:s0], s1  }
0x97: {  	s1 =	ssub.s32 @!p0 $0x0, s1;
	[sflag:s0] =	ssyncset.done @!p0 $0x0  }
0x98: {  	[sflag:s0] =	ssyncadd.s32 @!p0 s1  }
0x99: {  	[bflag:$0x3] =	sbarrier.arrive $0xFFFF  }
0x9a: {  	_ =	shalt  }

</sc_bundles>
